<compile_context>
chip_gen: v7x
topology: tpu7x:2x2x1
jax: 0.10.2.dev20260603
libtpu: 0.0.44.dev20260713+nightly
codegen_flags: <defaults>
</compile_context>

<pallas_src>
import functools

import jax
import jax.numpy as jnp
from jax import lax
from jax.experimental import pallas as pl
from jax.experimental.pallas import tpu as pltpu
from jax.experimental.pallas import tpu_sc as plsc

_K = 16
_SHIFT = _K - 1
_NC, _NS = 2, 16
_CHUNK = 64


def kernel(x):
    B, L, D = x.shape
    nw = _NC * _NS
    rows_per_w = (B * L) // nw
    workers_per_b = L // rows_per_w
    nchunks = rows_per_w // _CHUNK

    x2 = x.reshape(B * L, D)
    mesh = plsc.VectorSubcoreMesh(core_axis_name="c", subcore_axis_name="s")

    @functools.partial(
        pl.kernel,
        mesh=mesh,
        out_type=jax.ShapeDtypeStruct((B, L, 2, D), x.dtype),
        scratch_types=[
            pltpu.VMEM((_CHUNK, D), x.dtype),
            pltpu.VMEM((_CHUNK,), jnp.int32),
            pltpu.VMEM((_SHIFT, D), x.dtype),
            pltpu.SemaphoreType.DMA,
        ],
    )
    def span_sc(x_hbm, out_hbm, buf, idx_v, zbuf, sem):
        wid = lax.axis_index("s") * _NC + lax.axis_index("c")
        b = wid // workers_per_b
        s = (wid % workers_per_b) * rows_per_w

        def chunk_body(g, carry):
            r = s + g * _CHUNK
            pltpu.sync_copy(x_hbm.at[pl.ds(b * L + r, _CHUNK)], buf)
            pltpu.sync_copy(buf, out_hbm.at[b, pl.ds(r, _CHUNK), 0])

            first = r == 0

            @pl.when(first)
            def _():
                for j in range(_CHUNK // 16):
                    idx_v[pl.ds(j * 16, 16)] = (
                        lax.iota(jnp.int32, 16) + (b * L + _SHIFT + j * 16)
                    )
                pltpu.async_copy(x_hbm.at[idx_v], buf, sem).wait()
                pltpu.sync_copy(buf, out_hbm.at[b, pl.ds(0, _CHUNK), 1])

            @pl.when(jnp.logical_not(first))
            def _():
                pltpu.sync_copy(
                    buf, out_hbm.at[b, pl.ds(r - _SHIFT, _CHUNK), 1]
                )

            return carry

        lax.fori_loop(0, nchunks, chunk_body, 0)

        @pl.when(wid % workers_per_b == workers_per_b - 1)
        def _():
            zero = jnp.zeros((16,), x.dtype)

            def zrow(i, carry):
                zbuf[i // (D // 16), pl.ds((i % (D // 16)) * 16, 16)] = zero
                return carry

            lax.fori_loop(0, (_SHIFT * D) // 16, zrow, 0)
            pltpu.sync_copy(zbuf, out_hbm.at[b, pl.ds(L - _SHIFT, _SHIFT), 1])

    return span_sc(x2)

# --- scband reference (transcript-rebuilt; emitter-appended) ---
"""Pipeline reference for scband-span-endpoints-block-5995774345600 (READ-ONLY COPY).

The authoritative reference and input builder live on the scoring server;
editing this copy changes nothing except your own understanding.
"""

import jax, jax.numpy as jnp
import numpy as np

KERNEL_SIZE = 16

def setup_inputs(seed: int = 0) -> dict:
    key = jax.random.key(seed)
    x = jax.random.normal(key, (4, 4096, 1024), dtype=jnp.float32)
    return {"x": x}

def reference(x):
    B, L, D = x.shape
    starts = jnp.arange(L, dtype=jnp.int32)
    ends = starts + (KERNEL_SIZE - 1)
    span_idx = jnp.stack([starts, ends], axis=1)  # [L, 2]
    x_pad = jnp.pad(x, ((0, 0), (0, KERNEL_SIZE - 1), (0, 0)), mode='constant', constant_values=0.0)
    start_end_rep = jnp.take(x_pad, span_idx.reshape(-1), axis=1)  # [B, L*2, D]
    return start_end_rep.reshape(B, L, 2, D)

if __name__ == "__main__":
    import jax
    _d = setup_inputs()
    print(jax.jit(kernel)(*tuple(_d.values())))

</pallas_src>

<mosaic_0001>
#map = affine_map<(d0, d1) -> (0, 0)>
#map1 = affine_map<(d0, d1) -> (0, 0, 0, 0)>
module attributes {stable_mosaic.version = 14 : i64} {
  func.func @span_sc(%arg0: i32, %arg1: i32, %arg2: memref<16384x1024xf32, #tpu.memory_space<hbm>>, %arg3: memref<4x4096x2x1024xf32, #tpu.memory_space<hbm>>, %arg4: memref<64x1024xf32, #tpu.memory_space<vmem>>, %arg5: memref<64xi32, #tpu.memory_space<vmem>>, %arg6: memref<15x1024xf32, #tpu.memory_space<vmem>>, %arg7: memref<!tpu.dma_semaphore, #tpu.memory_space<semaphore_mem>>) attributes {dimension_semantics = [#tpu.dimension_semantics<core_parallel>, #tpu.dimension_semantics<subcore_parallel>], iteration_bounds = array<i64: 2, 16>, scalar_prefetch = 0 : i64, scratch_operands = 4 : i64, tpu.core_type = #tpu.core_type<sc_vector_subcore>, window_params = [{transform_indices = #map}, {transform_indices = #map1}]} {
    %mul3A = arith.constant 2 : i32
    %mul3A_0 = arith.muli %arg1, %mul3A : i32
    %add3A = arith.addi %mul3A_0, %arg0 : i32
    %jit3A = arith.constant 8 : i32
    %div3A = arith.divsi %add3A, %jit3A : i32
    %sign3A = arith.constant 0 : i32
    %sign3A_1 = arith.cmpi sgt, %add3A, %sign3A : i32
    %sign3A_2 = arith.extui %sign3A_1 : i1 to i32
    %sign3A_3 = arith.constant 0 : i32
    %sign3A_4 = arith.cmpi slt, %add3A, %sign3A_3 : i32
    %sign3A_5 = arith.extui %sign3A_4 : i1 to i32
    %sign3A_6 = arith.subi %sign3A_2, %sign3A_5 : i32
    %sign3A_7 = arith.constant 0 : i32
    %sign3A_8 = arith.cmpi sgt, %jit3A, %sign3A_7 : i32
    %sign3A_9 = arith.extui %sign3A_8 : i1 to i32
    %sign3A_10 = arith.constant 0 : i32
    %sign3A_11 = arith.cmpi slt, %jit3A, %sign3A_10 : i32
    %sign3A_12 = arith.extui %sign3A_11 : i1 to i32
    %sign3A_13 = arith.subi %sign3A_9, %sign3A_12 : i32
    %ne3A = arith.cmpi ne, %sign3A_6, %sign3A_13 : i32
    %rem3A = arith.remsi %add3A, %jit3A : i32
    %ne3A_14 = arith.constant 0 : i32
    %ne3A_15 = arith.cmpi ne, %rem3A, %ne3A_14 : i32
    %and3A = arith.andi %ne3A, %ne3A_15 : i1
    %sub3A = arith.constant 1 : i32
    %sub3A_16 = arith.subi %div3A, %sub3A : i32
    %select_n3A = arith.select %and3A, %sub3A_16, %div3A : i32
    %jit3A_17 = arith.constant 8 : i32
    %eq3A = arith.constant 0 : i32
    %eq3A_18 = arith.cmpi eq, %jit3A_17, %eq3A : i32
    %jit3A_19 = arith.constant 1 : i32
    %select_n3A_20 = arith.select %eq3A_18, %jit3A_19, %jit3A_17 : i32
    %rem3A_21 = arith.remsi %add3A, %select_n3A_20 : i32
    %ne3A_22 = arith.constant 0 : i32
    %ne3A_23 = arith.cmpi ne, %rem3A_21, %ne3A_22 : i32
    %lt3A = arith.constant 0 : i32
    %lt3A_24 = arith.cmpi slt, %rem3A_21, %lt3A : i32
    %lt3A_25 = arith.constant 0 : i32
    %lt3A_26 = arith.cmpi slt, %select_n3A_20, %lt3A_25 : i32
    %ne3A_27 = arith.xori %lt3A_24, %lt3A_26 : i1
    %and3A_28 = arith.andi %ne3A_27, %ne3A_23 : i1
    %add3A_29 = arith.addi %rem3A_21, %select_n3A_20 : i32
    %select_n3A_30 = arith.select %and3A_28, %add3A_29, %rem3A_21 : i32
    %mul3A_31 = arith.constant 512 : i32
    %mul3A_32 = arith.muli %select_n3A_30, %mul3A_31 : i32
    %scan3A = arith.constant 0 : i32
    %scan3A_33 = arith.constant 0 : i32
    %scan3A_34 = arith.constant 8 : i32
    %scan3A_35 = arith.addi %scan3A_33, %scan3A_34 : i32
    %scan3A_36 = arith.constant 1 : i32
    scf.for %scan3A_57 = %scan3A_33 to %scan3A_35 step %scan3A_36  : i32 {
      %mul3A_58 = arith.constant 64 : i32
      %mul3A_59 = arith.muli %scan3A_57, %mul3A_58 : i32
      %add3A_60 = arith.addi %mul3A_32, %mul3A_59 : i32
      %mul3A_61 = arith.constant 4096 : i32
      %mul3A_62 = arith.muli %select_n3A, %mul3A_61 : i32
      %add3A_63 = arith.addi %mul3A_62, %add3A_60 : i32
      "tpu.region"() ({
        %run_scoped3A_73 = tpu.sem_alloc : memref<!tpu.dma_semaphore, #tpu.memory_space<semaphore_mem>>
        %dma_start3A = arith.constant 0 : i32
        %dma_start3A_74 = tpu.memref_slice %arg2[%add3A_63, %dma_start3A] : memref<16384x1024xf32, #tpu.memory_space<hbm>> -> memref<64x1024xf32, #tpu.memory_space<hbm>>
        %dma_start3A_75 = arith.constant 0 : i32
        %dma_start3A_76 = tpu.memref_slice %arg2[%add3A_63, %dma_start3A_75] : memref<16384x1024xf32, #tpu.memory_space<hbm>> -> memref<64x1024xf32, #tpu.memory_space<hbm>>
        tpu.enqueue_dma source(%dma_start3A_76 : memref<64x1024xf32, #tpu.memory_space<hbm>>) target(%arg4 : memref<64x1024xf32, #tpu.memory_space<vmem>>) target_semaphore(%run_scoped3A_73 : memref<!tpu.dma_semaphore, #tpu.memory_space<semaphore_mem>>)
        %dma_wait3A = arith.constant 0 : i32
        %dma_wait3A_77 = tpu.memref_slice %arg2[%add3A_63, %dma_wait3A] : memref<16384x1024xf32, #tpu.memory_space<hbm>> -> memref<64x1024xf32, #tpu.memory_space<hbm>>
        %dma_wait3A_78 = arith.constant 0 : i32
        %dma_wait3A_79 = tpu.memref_slice %arg2[%add3A_63, %dma_wait3A_78] : memref<16384x1024xf32, #tpu.memory_space<hbm>> -> memref<64x1024xf32, #tpu.memory_space<hbm>>
        tpu.wait_dma2 semaphore(%run_scoped3A_73 : memref<!tpu.dma_semaphore, #tpu.memory_space<semaphore_mem>>) src(%dma_wait3A_79 : memref<64x1024xf32, #tpu.memory_space<hbm>>) dst(%arg4 : memref<64x1024xf32, #tpu.memory_space<vmem>>)
        tpu.yield
      }) : () -> ()
      %run_scoped3A = arith.constant 0 : i32
      "tpu.region"() ({
        %run_scoped3A_73 = tpu.sem_alloc : memref<!tpu.dma_semaphore, #tpu.memory_space<semaphore_mem>>
        %dma_start3A = arith.constant 0 : i32
        %dma_start3A_74 = tpu.memref_slice %arg3[%select_n3A, %add3A_60, %run_scoped3A, %dma_start3A] : memref<4x4096x2x1024xf32, #tpu.memory_space<hbm>> -> memref<1x64x1x1024xf32, #tpu.memory_space<hbm>>
        %dma_start3A_75 = tpu.memref_squeeze %dma_start3A_74 : memref<1x64x1x1024xf32, #tpu.memory_space<hbm>> -> memref<64x1024xf32, #tpu.memory_space<hbm>>
        %dma_start3A_76 = arith.constant 0 : i32
        %dma_start3A_77 = tpu.memref_slice %arg3[%select_n3A, %add3A_60, %run_scoped3A, %dma_start3A_76] : memref<4x4096x2x1024xf32, #tpu.memory_space<hbm>> -> memref<1x64x1x1024xf32, #tpu.memory_space<hbm>>
        %dma_start3A_78 = tpu.memref_squeeze %dma_start3A_77 : memref<1x64x1x1024xf32, #tpu.memory_space<hbm>> -> memref<64x1024xf32, #tpu.memory_space<hbm>>
        tpu.enqueue_dma source(%arg4 : memref<64x1024xf32, #tpu.memory_space<vmem>>) target(%dma_start3A_78 : memref<64x1024xf32, #tpu.memory_space<hbm>>) target_semaphore(%run_scoped3A_73 : memref<!tpu.dma_semaphore, #tpu.memory_space<semaphore_mem>>)
        %dma_wait3A = arith.constant 0 : i32
        %dma_wait3A_79 = tpu.memref_slice %arg3[%select_n3A, %add3A_60, %run_scoped3A, %dma_wait3A] : memref<4x4096x2x1024xf32, #tpu.memory_space<hbm>> -> memref<1x64x1x1024xf32, #tpu.memory_space<hbm>>
        %dma_wait3A_80 = tpu.memref_squeeze %dma_wait3A_79 : memref<1x64x1x1024xf32, #tpu.memory_space<hbm>> -> memref<64x1024xf32, #tpu.memory_space<hbm>>
        %dma_wait3A_81 = arith.constant 0 : i32
        %dma_wait3A_82 = tpu.memref_slice %arg3[%select_n3A, %add3A_60, %run_scoped3A, %dma_wait3A_81] : memref<4x4096x2x1024xf32, #tpu.memory_space<hbm>> -> memref<1x64x1x1024xf32, #tpu.memory_space<hbm>>
        %dma_wait3A_83 = tpu.memref_squeeze %dma_wait3A_82 : memref<1x64x1x1024xf32, #tpu.memory_space<hbm>> -> memref<64x1024xf32, #tpu.memory_space<hbm>>
        tpu.wait_dma2 semaphore(%run_scoped3A_73 : memref<!tpu.dma_semaphore, #tpu.memory_space<semaphore_mem>>) src(%arg4 : memref<64x1024xf32, #tpu.memory_space<vmem>>) dst(%dma_wait3A_83 : memref<64x1024xf32, #tpu.memory_space<hbm>>)
        tpu.yield
      }) : () -> ()
      %eq3A_64 = arith.constant 0 : i32
      %eq3A_65 = arith.cmpi eq, %add3A_60, %eq3A_64 : i32
      %convert_element_type3A_66 = arith.extui %eq3A_65 : i1 to i32
      %cond3A_67 = arith.constant 0 : i32
      %cond3A_68 = arith.cmpi ne, %convert_element_type3A_66, %cond3A_67 : i32
      scf.if %cond3A_68 {
        %iota3A = tpu.iota {dimensions = array<i32: 0>} : vector<16xi32>
        %mul3A_73 = arith.constant 4096 : i32
        %mul3A_74 = arith.muli %select_n3A, %mul3A_73 : i32
        %add3A_75 = arith.constant 15 : i32
        %add3A_76 = arith.addi %mul3A_74, %add3A_75 : i32
        %add3A_77 = arith.constant 0 : i32
        %add3A_78 = arith.addi %add3A_76, %add3A_77 : i32
        %add3A_79 = vector.broadcast %add3A_78 : i32 to vector<16xi32>
        %add3A_80 = arith.addi %iota3A, %add3A_79 : vector<16xi32>
        %swap3A = arith.constant 0 : index
        %swap3A_81 = tpu.vector_load %arg5[%swap3A] {strides = array<i32>} : memref<64xi32, #tpu.memory_space<vmem>>, vector<16xi32>,
        %swap3A_82 = vector.shape_cast %swap3A_81 : vector<16xi32> to vector<16xi32>
        %swap3A_83 = vector.shape_cast %add3A_80 : vector<16xi32> to vector<16xi32>
        tpu.vector_store %arg5[%swap3A], %swap3A_83 {strides = array<i32>} : memref<64xi32, #tpu.memory_space<vmem>>, vector<16xi32>,
        %iota3A_84 = tpu.iota {dimensions = array<i32: 0>} : vector<16xi32>
        %mul3A_85 = arith.constant 4096 : i32
        %mul3A_86 = arith.muli %select_n3A, %mul3A_85 : i32
        %add3A_87 = arith.constant 15 : i32
        %add3A_88 = arith.addi %mul3A_86, %add3A_87 : i32
        %add3A_89 = arith.constant 16 : i32
        %add3A_90 = arith.addi %add3A_88, %add3A_89 : i32
        %add3A_91 = vector.broadcast %add3A_90 : i32 to vector<16xi32>
        %add3A_92 = arith.addi %iota3A_84, %add3A_91 : vector<16xi32>
        %swap3A_93 = arith.constant 16 : index
        %swap3A_94 = tpu.vector_load %arg5[%swap3A_93] {strides = array<i32>} : memref<64xi32, #tpu.memory_space<vmem>>, vector<16xi32>,
        %swap3A_95 = vector.shape_cast %swap3A_94 : vector<16xi32> to vector<16xi32>
        %swap3A_96 = vector.shape_cast %add3A_92 : vector<16xi32> to vector<16xi32>
        tpu.vector_store %arg5[%swap3A_93], %swap3A_96 {strides = array<i32>} : memref<64xi32, #tpu.memory_space<vmem>>, vector<16xi32>,
        %iota3A_97 = tpu.iota {dimensions = array<i32: 0>} : vector<16xi32>
        %mul3A_98 = arith.constant 4096 : i32
        %mul3A_99 = arith.muli %select_n3A, %mul3A_98 : i32
        %add3A_100 = arith.constant 15 : i32
        %add3A_101 = arith.addi %mul3A_99, %add3A_100 : i32
        %add3A_102 = arith.constant 32 : i32
        %add3A_103 = arith.addi %add3A_101, %add3A_102 : i32
        %add3A_104 = vector.broadcast %add3A_103 : i32 to vector<16xi32>
        %add3A_105 = arith.addi %iota3A_97, %add3A_104 : vector<16xi32>
        %swap3A_106 = arith.constant 32 : index
        %swap3A_107 = tpu.vector_load %arg5[%swap3A_106] {strides = array<i32>} : memref<64xi32, #tpu.memory_space<vmem>>, vector<16xi32>,
        %swap3A_108 = vector.shape_cast %swap3A_107 : vector<16xi32> to vector<16xi32>
        %swap3A_109 = vector.shape_cast %add3A_105 : vector<16xi32> to vector<16xi32>
        tpu.vector_store %arg5[%swap3A_106], %swap3A_109 {strides = array<i32>} : memref<64xi32, #tpu.memory_space<vmem>>, vector<16xi32>,
        %iota3A_110 = tpu.iota {dimensions = array<i32: 0>} : vector<16xi32>
        %mul3A_111 = arith.constant 4096 : i32
        %mul3A_112 = arith.muli %select_n3A, %mul3A_111 : i32
        %add3A_113 = arith.constant 15 : i32
        %add3A_114 = arith.addi %mul3A_112, %add3A_113 : i32
        %add3A_115 = arith.constant 48 : i32
        %add3A_116 = arith.addi %add3A_114, %add3A_115 : i32
        %add3A_117 = vector.broadcast %add3A_116 : i32 to vector<16xi32>
        %add3A_118 = arith.addi %iota3A_110, %add3A_117 : vector<16xi32>
        %swap3A_119 = arith.constant 48 : index
        %swap3A_120 = tpu.vector_load %arg5[%swap3A_119] {strides = array<i32>} : memref<64xi32, #tpu.memory_space<vmem>>, vector<16xi32>,
        %swap3A_121 = vector.shape_cast %swap3A_120 : vector<16xi32> to vector<16xi32>
        %swap3A_122 = vector.shape_cast %add3A_118 : vector<16xi32> to vector<16xi32>
        tpu.vector_store %arg5[%swap3A_119], %swap3A_122 {strides = array<i32>} : memref<64xi32, #tpu.memory_space<vmem>>, vector<16xi32>,
        %dma_start3A = arith.constant 0 : i32
        %dma_start3A_123 = arith.constant 0 : i32
        %dma_start3A_124 = tpu.memref_slice %arg2[%dma_start3A, %dma_start3A_123] : memref<16384x1024xf32, #tpu.memory_space<hbm>> -> memref<16384x1024xf32, #tpu.memory_space<hbm>>
        tpu.enqueue_indirect_dma source(%dma_start3A_124 : memref<16384x1024xf32, #tpu.memory_space<hbm>>) target(%arg4 : memref<64x1024xf32, #tpu.memory_space<vmem>>) offsets(%arg5 : memref<64xi32, #tpu.memory_space<vmem>>) semaphore(%arg7 : memref<!tpu.dma_semaphore, #tpu.memory_space<semaphore_mem>>)
        %dma_wait3A = arith.constant 0 : i32
        %dma_wait3A_125 = arith.constant 0 : i32
        %dma_wait3A_126 = tpu.memref_slice %arg2[%dma_wait3A, %dma_wait3A_125] : memref<16384x1024xf32, #tpu.memory_space<hbm>> -> memref<16384x1024xf32, #tpu.memory_space<hbm>>
        tpu.wait_indirect_dma semaphore(%arg7 : memref<!tpu.dma_semaphore, #tpu.memory_space<semaphore_mem>>) src(%dma_wait3A_126 : memref<16384x1024xf32, #tpu.memory_space<hbm>>) dst(%arg4 : memref<64x1024xf32, #tpu.memory_space<vmem>>)
        %run_scoped3A_127 = arith.constant 1 : i32
        "tpu.region"() ({
          %run_scoped3A_128 = tpu.sem_alloc : memref<!tpu.dma_semaphore, #tpu.memory_space<semaphore_mem>>
          %dma_start3A_129 = arith.constant 0 : i32
          %dma_start3A_130 = arith.constant 0 : i32
          %dma_start3A_131 = tpu.memref_slice %arg3[%select_n3A, %dma_start3A_129, %run_scoped3A_127, %dma_start3A_130] : memref<4x4096x2x1024xf32, #tpu.memory_space<hbm>> -> memref<1x64x1x1024xf32, #tpu.memory_space<hbm>>
          %dma_start3A_132 = tpu.memref_squeeze %dma_start3A_131 : memref<1x64x1x1024xf32, #tpu.memory_space<hbm>> -> memref<64x1024xf32, #tpu.memory_space<hbm>>
          %dma_start3A_133 = arith.constant 0 : i32
          %dma_start3A_134 = arith.constant 0 : i32
          %dma_start3A_135 = tpu.memref_slice %arg3[%select_n3A, %dma_start3A_133, %run_scoped3A_127, %dma_start3A_134] : memref<4x4096x2x1024xf32, #tpu.memory_space<hbm>> -> memref<1x64x1x1024xf32, #tpu.memory_space<hbm>>
          %dma_start3A_136 = tpu.memref_squeeze %dma_start3A_135 : memref<1x64x1x1024xf32, #tpu.memory_space<hbm>> -> memref<64x1024xf32, #tpu.memory_space<hbm>>
          tpu.enqueue_dma source(%arg4 : memref<64x1024xf32, #tpu.memory_space<vmem>>) target(%dma_start3A_136 : memref<64x1024xf32, #tpu.memory_space<hbm>>) target_semaphore(%run_scoped3A_128 : memref<!tpu.dma_semaphore, #tpu.memory_space<semaphore_mem>>)
          %dma_wait3A_137 = arith.constant 0 : i32
          %dma_wait3A_138 = arith.constant 0 : i32
          %dma_wait3A_139 = tpu.memref_slice %arg3[%select_n3A, %dma_wait3A_137, %run_scoped3A_127, %dma_wait3A_138] : memref<4x4096x2x1024xf32, #tpu.memory_space<hbm>> -> memref<1x64x1x1024xf32, #tpu.memory_space<hbm>>
          %dma_wait3A_140 = tpu.memref_squeeze %dma_wait3A_139 : memref<1x64x1x1024xf32, #tpu.memory_space<hbm>> -> memref<64x1024xf32, #tpu.memory_space<hbm>>
          %dma_wait3A_141 = arith.constant 0 : i32
          %dma_wait3A_142 = arith.constant 0 : i32
          %dma_wait3A_143 = tpu.memref_slice %arg3[%select_n3A, %dma_wait3A_141, %run_scoped3A_127, %dma_wait3A_142] : memref<4x4096x2x1024xf32, #tpu.memory_space<hbm>> -> memref<1x64x1x1024xf32, #tpu.memory_space<hbm>>
          %dma_wait3A_144 = tpu.memref_squeeze %dma_wait3A_143 : memref<1x64x1x1024xf32, #tpu.memory_space<hbm>> -> memref<64x1024xf32, #tpu.memory_space<hbm>>
          tpu.wait_dma2 semaphore(%run_scoped3A_128 : memref<!tpu.dma_semaphore, #tpu.memory_space<semaphore_mem>>) src(%arg4 : memref<64x1024xf32, #tpu.memory_space<vmem>>) dst(%dma_wait3A_144 : memref<64x1024xf32, #tpu.memory_space<hbm>>)
          tpu.yield
        }) : () -> ()
      } else {
      }
      %not3A = arith.constant true
      %not3A_69 = arith.xori %eq3A_65, %not3A : i1
      %convert_element_type3A_70 = arith.extui %not3A_69 : i1 to i32
      %cond3A_71 = arith.constant 0 : i32
      %cond3A_72 = arith.cmpi ne, %convert_element_type3A_70, %cond3A_71 : i32
      scf.if %cond3A_72 {
        %sub3A_73 = arith.constant 15 : i32
        %sub3A_74 = arith.subi %add3A_60, %sub3A_73 : i32
        %run_scoped3A_75 = arith.constant 1 : i32
        "tpu.region"() ({
          %run_scoped3A_76 = tpu.sem_alloc : memref<!tpu.dma_semaphore, #tpu.memory_space<semaphore_mem>>
          %dma_start3A = arith.constant 0 : i32
          %dma_start3A_77 = tpu.memref_slice %arg3[%select_n3A, %sub3A_74, %run_scoped3A_75, %dma_start3A] : memref<4x4096x2x1024xf32, #tpu.memory_space<hbm>> -> memref<1x64x1x1024xf32, #tpu.memory_space<hbm>>
          %dma_start3A_78 = tpu.memref_squeeze %dma_start3A_77 : memref<1x64x1x1024xf32, #tpu.memory_space<hbm>> -> memref<64x1024xf32, #tpu.memory_space<hbm>>
          %dma_start3A_79 = arith.constant 0 : i32
          %dma_start3A_80 = tpu.memref_slice %arg3[%select_n3A, %sub3A_74, %run_scoped3A_75, %dma_start3A_79] : memref<4x4096x2x1024xf32, #tpu.memory_space<hbm>> -> memref<1x64x1x1024xf32, #tpu.memory_space<hbm>>
          %dma_start3A_81 = tpu.memref_squeeze %dma_start3A_80 : memref<1x64x1x1024xf32, #tpu.memory_space<hbm>> -> memref<64x1024xf32, #tpu.memory_space<hbm>>
          tpu.enqueue_dma source(%arg4 : memref<64x1024xf32, #tpu.memory_space<vmem>>) target(%dma_start3A_81 : memref<64x1024xf32, #tpu.memory_space<hbm>>) target_semaphore(%run_scoped3A_76 : memref<!tpu.dma_semaphore, #tpu.memory_space<semaphore_mem>>)
          %dma_wait3A = arith.constant 0 : i32
          %dma_wait3A_82 = tpu.memref_slice %arg3[%select_n3A, %sub3A_74, %run_scoped3A_75, %dma_wait3A] : memref<4x4096x2x1024xf32, #tpu.memory_space<hbm>> -> memref<1x64x1x1024xf32, #tpu.memory_space<hbm>>
          %dma_wait3A_83 = tpu.memref_squeeze %dma_wait3A_82 : memref<1x64x1x1024xf32, #tpu.memory_space<hbm>> -> memref<64x1024xf32, #tpu.memory_space<hbm>>
          %dma_wait3A_84 = arith.constant 0 : i32
          %dma_wait3A_85 = tpu.memref_slice %arg3[%select_n3A, %sub3A_74, %run_scoped3A_75, %dma_wait3A_84] : memref<4x4096x2x1024xf32, #tpu.memory_space<hbm>> -> memref<1x64x1x1024xf32, #tpu.memory_space<hbm>>
          %dma_wait3A_86 = tpu.memref_squeeze %dma_wait3A_85 : memref<1x64x1x1024xf32, #tpu.memory_space<hbm>> -> memref<64x1024xf32, #tpu.memory_space<hbm>>
          tpu.wait_dma2 semaphore(%run_scoped3A_76 : memref<!tpu.dma_semaphore, #tpu.memory_space<semaphore_mem>>) src(%arg4 : memref<64x1024xf32, #tpu.memory_space<vmem>>) dst(%dma_wait3A_86 : memref<64x1024xf32, #tpu.memory_space<hbm>>)
          tpu.yield
        }) : () -> ()
      } else {
      }
    }
    %scan3A_37 = arith.constant 8 : i32
    %jit3A_38 = arith.constant 8 : i32
    %eq3A_39 = arith.constant 0 : i32
    %eq3A_40 = arith.cmpi eq, %jit3A_38, %eq3A_39 : i32
    %jit3A_41 = arith.constant 1 : i32
    %select_n3A_42 = arith.select %eq3A_40, %jit3A_41, %jit3A_38 : i32
    %rem3A_43 = arith.remsi %add3A, %select_n3A_42 : i32
    %ne3A_44 = arith.constant 0 : i32
    %ne3A_45 = arith.cmpi ne, %rem3A_43, %ne3A_44 : i32
    %lt3A_46 = arith.constant 0 : i32
    %lt3A_47 = arith.cmpi slt, %rem3A_43, %lt3A_46 : i32
    %lt3A_48 = arith.constant 0 : i32
    %lt3A_49 = arith.cmpi slt, %select_n3A_42, %lt3A_48 : i32
    %ne3A_50 = arith.xori %lt3A_47, %lt3A_49 : i1
    %and3A_51 = arith.andi %ne3A_50, %ne3A_45 : i1
    %add3A_52 = arith.addi %rem3A_43, %select_n3A_42 : i32
    %select_n3A_53 = arith.select %and3A_51, %add3A_52, %rem3A_43 : i32
    %eq3A_54 = arith.constant 7 : i32
    %eq3A_55 = arith.cmpi eq, %select_n3A_53, %eq3A_54 : i32
    %convert_element_type3A = arith.extui %eq3A_55 : i1 to i32
    %cond3A = arith.constant 0 : i32
    %cond3A_56 = arith.cmpi ne, %convert_element_type3A, %cond3A : i32
    scf.if %cond3A_56 {
      %broadcast_in_dim3A = arith.constant 0.000000e+00 : f32
      %broadcast_in_dim3A_57 = vector.broadcast %broadcast_in_dim3A : f32 to vector<16xf32>
      %scan3A_58 = arith.constant 0 : i32
      %scan3A_59 = arith.constant 0 : i32
      %scan3A_60 = arith.constant 960 : i32
      %scan3A_61 = arith.addi %scan3A_59, %scan3A_60 : i32
      %scan3A_62 = arith.constant 1 : i32
      scf.for %scan3A_64 = %scan3A_59 to %scan3A_61 step %scan3A_62  : i32 {
        %jit3A_65 = arith.constant 64 : i32
        %div3A_66 = arith.divsi %scan3A_64, %jit3A_65 : i32
        %sign3A_67 = arith.constant 0 : i32
        %sign3A_68 = arith.cmpi sgt, %scan3A_64, %sign3A_67 : i32
        %sign3A_69 = arith.extui %sign3A_68 : i1 to i32
        %sign3A_70 = arith.constant 0 : i32
        %sign3A_71 = arith.cmpi slt, %scan3A_64, %sign3A_70 : i32
        %sign3A_72 = arith.extui %sign3A_71 : i1 to i32
        %sign3A_73 = arith.subi %sign3A_69, %sign3A_72 : i32
        %sign3A_74 = arith.constant 0 : i32
        %sign3A_75 = arith.cmpi sgt, %jit3A_65, %sign3A_74 : i32
        %sign3A_76 = arith.extui %sign3A_75 : i1 to i32
        %sign3A_77 = arith.constant 0 : i32
        %sign3A_78 = arith.cmpi slt, %jit3A_65, %sign3A_77 : i32
        %sign3A_79 = arith.extui %sign3A_78 : i1 to i32
        %sign3A_80 = arith.subi %sign3A_76, %sign3A_79 : i32
        %ne3A_81 = arith.cmpi ne, %sign3A_73, %sign3A_80 : i32
        %rem3A_82 = arith.remsi %scan3A_64, %jit3A_65 : i32
        %ne3A_83 = arith.constant 0 : i32
        %ne3A_84 = arith.cmpi ne, %rem3A_82, %ne3A_83 : i32
        %and3A_85 = arith.andi %ne3A_81, %ne3A_84 : i1
        %sub3A_86 = arith.constant 1 : i32
        %sub3A_87 = arith.subi %div3A_66, %sub3A_86 : i32
        %select_n3A_88 = arith.select %and3A_85, %sub3A_87, %div3A_66 : i32
        %jit3A_89 = arith.constant 64 : i32
        %eq3A_90 = arith.constant 0 : i32
        %eq3A_91 = arith.cmpi eq, %jit3A_89, %eq3A_90 : i32
        %jit3A_92 = arith.constant 1 : i32
        %select_n3A_93 = arith.select %eq3A_91, %jit3A_92, %jit3A_89 : i32
        %rem3A_94 = arith.remsi %scan3A_64, %select_n3A_93 : i32
        %ne3A_95 = arith.constant 0 : i32
        %ne3A_96 = arith.cmpi ne, %rem3A_94, %ne3A_95 : i32
        %lt3A_97 = arith.constant 0 : i32
        %lt3A_98 = arith.cmpi slt, %rem3A_94, %lt3A_97 : i32
        %lt3A_99 = arith.constant 0 : i32
        %lt3A_100 = arith.cmpi slt, %select_n3A_93, %lt3A_99 : i32
        %ne3A_101 = arith.xori %lt3A_98, %lt3A_100 : i1
        %and3A_102 = arith.andi %ne3A_101, %ne3A_96 : i1
        %add3A_103 = arith.addi %rem3A_94, %select_n3A_93 : i32
        %select_n3A_104 = arith.select %and3A_102, %add3A_103, %rem3A_94 : i32
        %mul3A_105 = arith.constant 16 : i32
        %mul3A_106 = arith.muli %select_n3A_104, %mul3A_105 : i32
        %swap3A = arith.index_cast %select_n3A_88 : i32 to index
        %swap3A_107 = arith.index_cast %mul3A_106 : i32 to index
        %swap3A_108 = tpu.vector_load %arg6[%swap3A, %swap3A_107] {strides = array<i32>} : memref<15x1024xf32, #tpu.memory_space<vmem>>, vector<1x16xf32>,
        %swap3A_109 = vector.shape_cast %swap3A_108 : vector<1x16xf32> to vector<16xf32>
        %swap3A_110 = vector.shape_cast %broadcast_in_dim3A_57 : vector<16xf32> to vector<1x16xf32>
        tpu.vector_store %arg6[%swap3A, %swap3A_107], %swap3A_110 {strides = array<i32>} : memref<15x1024xf32, #tpu.memory_space<vmem>>, vector<1x16xf32>,
      }
      %scan3A_63 = arith.constant 960 : i32
      %run_scoped3A = arith.constant 1 : i32
      "tpu.region"() ({
        %run_scoped3A_64 = tpu.sem_alloc : memref<!tpu.dma_semaphore, #tpu.memory_space<semaphore_mem>>
        %dma_start3A = arith.constant 4081 : i32
        %dma_start3A_65 = arith.constant 0 : i32
        %dma_start3A_66 = tpu.memref_slice %arg3[%select_n3A, %dma_start3A, %run_scoped3A, %dma_start3A_65] : memref<4x4096x2x1024xf32, #tpu.memory_space<hbm>> -> memref<1x15x1x1024xf32, #tpu.memory_space<hbm>>
        %dma_start3A_67 = tpu.memref_squeeze %dma_start3A_66 : memref<1x15x1x1024xf32, #tpu.memory_space<hbm>> -> memref<15x1024xf32, #tpu.memory_space<hbm>>
        %dma_start3A_68 = arith.constant 4081 : i32
        %dma_start3A_69 = arith.constant 0 : i32
        %dma_start3A_70 = tpu.memref_slice %arg3[%select_n3A, %dma_start3A_68, %run_scoped3A, %dma_start3A_69] : memref<4x4096x2x1024xf32, #tpu.memory_space<hbm>> -> memref<1x15x1x1024xf32, #tpu.memory_space<hbm>>
        %dma_start3A_71 = tpu.memref_squeeze %dma_start3A_70 : memref<1x15x1x1024xf32, #tpu.memory_space<hbm>> -> memref<15x1024xf32, #tpu.memory_space<hbm>>
        tpu.enqueue_dma source(%arg6 : memref<15x1024xf32, #tpu.memory_space<vmem>>) target(%dma_start3A_71 : memref<15x1024xf32, #tpu.memory_space<hbm>>) target_semaphore(%run_scoped3A_64 : memref<!tpu.dma_semaphore, #tpu.memory_space<semaphore_mem>>)
        %dma_wait3A = arith.constant 4081 : i32
        %dma_wait3A_72 = arith.constant 0 : i32
        %dma_wait3A_73 = tpu.memref_slice %arg3[%select_n3A, %dma_wait3A, %run_scoped3A, %dma_wait3A_72] : memref<4x4096x2x1024xf32, #tpu.memory_space<hbm>> -> memref<1x15x1x1024xf32, #tpu.memory_space<hbm>>
        %dma_wait3A_74 = tpu.memref_squeeze %dma_wait3A_73 : memref<1x15x1x1024xf32, #tpu.memory_space<hbm>> -> memref<15x1024xf32, #tpu.memory_space<hbm>>
        %dma_wait3A_75 = arith.constant 4081 : i32
        %dma_wait3A_76 = arith.constant 0 : i32
        %dma_wait3A_77 = tpu.memref_slice %arg3[%select_n3A, %dma_wait3A_75, %run_scoped3A, %dma_wait3A_76] : memref<4x4096x2x1024xf32, #tpu.memory_space<hbm>> -> memref<1x15x1x1024xf32, #tpu.memory_space<hbm>>
        %dma_wait3A_78 = tpu.memref_squeeze %dma_wait3A_77 : memref<1x15x1x1024xf32, #tpu.memory_space<hbm>> -> memref<15x1024xf32, #tpu.memory_space<hbm>>
        tpu.wait_dma2 semaphore(%run_scoped3A_64 : memref<!tpu.dma_semaphore, #tpu.memory_space<semaphore_mem>>) src(%arg6 : memref<15x1024xf32, #tpu.memory_space<vmem>>) dst(%dma_wait3A_78 : memref<15x1024xf32, #tpu.memory_space<hbm>>)
        tpu.yield
      }) : () -> ()
    } else {
    }
    return
  }
}

</mosaic_0001>

<sc_bundles>
// kernel: kernel.3.cloned.1.call-start
scs
__scs_entry_jumppad:
0x0: {  	(pc) =	sbr.rel $0x88, $3  }
0x1: {  	(tag) =	ssettag $0x0;
	lr =	simm.s32 $0x1  }
0x2: {  	[smem:$0x3FA0] =	sst lr;
	_ =	strace $0xD0000000  }
0x3: {  	_ = 	snop  }
0x4: {  	_ = 	snop  }
0x5: {  	_ = 	snop  }
0x6: {  	_ = 	snop  }
0x7: {  	_ = 	snop  }
__scs_overlays_trampoline_lowered:
0x8: {  	[smem:$0x3FAF] =	sst s0  }
0x9: {  	[smem:$0x3FB0] =	sst s1  }
0xa: {  	[smem:$0x3FB1] =	sst s2  }
0xb: {  	[smem:$0x3FB2] =	sst s3  }
0xc: {  	[smem:$0x3FB3] =	sst s4  }
0xd: {  	[smem:$0x3FB4] =	sst s5  }
0xe: {  	[smem:$0x3FB5] =	sst s6  }
0xf: {  	[smem:$0x3FB6] =	sst s7  }
0x10: {  	[smem:$0x3FB7] =	sst s8  }
0x11: {  	[smem:$0x3FB8] =	sst s9;
	s0 =	simm.s32 @!p0 $0x0  }
0x12: {  	s1 =	sld [smem:$0x3F9E];
	s0 =	simm.s32 @p0 $0x1  }
0x13: {  	[smem:$0x3FB9] =	sst s0;
	s0 =	simm.s32 @!p1 $0x0  }
0x14: {  	s2 =	sld [smem:$0x3F9D];
	s0 =	simm.s32 @p1 $0x1  }
0x15: {  	[smem:$0x3FBA] =	sst s0;
	s0 =	simm.s32 @!p2 $0x0  }
0x16: {  	s3 =	sld [smem:$0x3FDB];
	s0 =	simm.s32 @p2 $0x1  }
0x17: {  	s4 =	simm.s32 $0x1BF5;
	[smem:$0x3FBC] =	sst s0  }
0x18: {  	s0 =	sld [smem:$0x3F9F];
	_ =	swait.ge [sflag:s4], $0x0  }
0x19: {  	s7 =	sld [smem:$0x3FA0]  }
0x1a: {  	s8 =	sadd.s32 $0xFFFFE003, lr  }
0x1b: {  	s9 =	sadd.s32 $0xFFFFFEF7, lr;
	s5 =	simm.s32 $0xFFFFFFFF;
	p2 =	slt.u32 s8, $0xFFFFF086  }
0x1c: {  	p1 =	slt.u32 s9, $0xF7A;
	s5 =	simm.s32 @!p2 $0x0  }
0x1d: {  	s5 =	simm.s32 @p1 $0x1;
	p0 =	seq.s32 s7, s2  }
0x1e: {  	s7 =	smul.u32 @!p0 $0xF7A, s2;
	p2 =	seq.s32 @!p0 s5, $0x0  }
0x1f: {  	s9 =	smul.u32 $0xF7A, s1;
	s8 =	simm.s32 @!p0 $0x1BF5;
	p2 =	por !p2, p0  }
0x20: {  	[sflag:s8] =	ssyncset.s32 @!p0 $0xFFFFF086;
	s6 =	sadd.s32 @!p0 s3, s7;
	s7 =	simm.s32 @!p0 $0x108  }
0x21: {  	s3 =	sadd.s32 s3, s9;
	s6 =	sadd.s32 @!p0 $0x88, s6;
	s7 =	simm.s32 @p2 $0x1082  }
0x22: {  	[simem:s7], [sflag:s8] =	dma.local @!p0 [hbm:s6], $0xF7A  }
0x23: {  	s9 =	sor.u32 $0xD0000000, s2;
	s6 =	simm.s32 $0x108;
	_ =	swait.ge @!p0 [sflag:s8], $0x0  }
0x24: {  	s3 =	sadd.s32 $0x88, s3;
	s6 =	simm.s32 @!p1 $0x1082;
	[sflag:s4] =	ssyncset.s32 $0xFFFFF086  }
0x25: {  	[simem:s6], [sflag:s4] =	dma.local [hbm:s3], $0xF7A  }
0x26: {  	[smem:$0x3FA0] =	sst s1;
	(tag) =	ssettag s2;
	_ =	strace s9  }
0x27: {  	s1 =	sld [smem:$0x3FB0]  }
0x28: {  	s2 =	sld [smem:$0x3FB1]  }
0x29: {  	s4 =	sld [smem:$0x3FB3]  }
0x2a: {  	p0 =	seq.s32 s5, $0x0;
	s5 =	sld [smem:$0x3FB4]  }
0x2b: {  	s6 =	sld [smem:$0x3FB5]  }
0x2c: {  	s7 =	sld [smem:$0x3FB6]  }
0x2d: {  	s3 =	simm.s32 $0x108;
	s8 =	sld [smem:$0x3FB7]  }
0x2e: {  	s3 =	simm.s32 @!p0 $0x1082;
	s9 =	sld [smem:$0x3FB8]  }
0x2f: {  	lr =	sadd.s32 s0, s3;
	s0 =	sld [smem:$0x3FAF]  }
0x30: {  	s3 =	sld [smem:$0x3FB2]  }
0x31: {  	[smem:$0x3FBB] =	sst s10  }
0x32: {  	s10 =	sld [smem:$0x3FB9];
	_ =	sdelay $0x3  }
0x33: {  	p0 =	seq.s32 s10, $0x1;
	s10 =	sld [smem:$0x3FBB];
	_ =	sdelay $0x3  }
0x34: {  	[smem:$0x3FBB] =	sst s10  }
0x35: {  	s10 =	sld [smem:$0x3FBA];
	_ =	sdelay $0x3  }
0x36: {  	p1 =	seq.s32 s10, $0x1;
	s10 =	sld [smem:$0x3FBB];
	_ =	sdelay $0x3  }
0x37: {  	[smem:$0x3FBB] =	sst s10  }
0x38: {  	s10 =	sld [smem:$0x3FBC]  }
0x39: {  	_ = 	snop;
	(pc) =	sbr.ind lr, $3  }
0x3a: {  	_ = 	snop  }
0x3b: {  	_ = 	snop  }
0x3c: {  	p2 =	seq.s32 s10, $0x1;
	s10 =	sld [smem:$0x3FBB]  }
0x3d: {  	_ =	shalt  }
0x3e: {  	_ =	shalt  }
0x3f: {  	_ =	shalt  }
0x40: {  	_ =	shalt  }
0x41: {  	_ =	shalt  }
0x42: {  	_ =	shalt  }
0x43: {  	_ =	shalt  }
0x44: {  	_ =	shalt  }
0x45: {  	_ =	shalt  }
0x46: {  	_ =	shalt  }
0x47: {  	_ =	shalt  }
0x48: {  	_ =	shalt  }
0x49: {  	_ =	shalt  }
0x4a: {  	_ =	shalt  }
0x4b: {  	_ =	shalt  }
0x4c: {  	_ =	shalt  }
0x4d: {  	_ =	shalt  }
0x4e: {  	_ =	shalt  }
0x4f: {  	_ =	shalt  }
0x50: {  	_ =	shalt  }
0x51: {  	_ =	shalt  }
0x52: {  	_ =	shalt  }
0x53: {  	_ =	shalt  }
0x54: {  	_ =	shalt  }
0x55: {  	_ =	shalt  }
0x56: {  	_ =	shalt  }
0x57: {  	_ =	shalt  }
0x58: {  	_ =	shalt  }
0x59: {  	_ =	shalt  }
0x5a: {  	_ =	shalt  }
0x5b: {  	_ =	shalt  }
0x5c: {  	_ =	shalt  }
0x5d: {  	_ =	shalt  }
0x5e: {  	_ =	shalt  }
0x5f: {  	_ =	shalt  }
0x60: {  	_ =	shalt  }
0x61: {  	_ =	shalt  }
0x62: {  	_ =	shalt  }
0x63: {  	_ =	shalt  }
0x64: {  	_ =	shalt  }
0x65: {  	_ =	shalt  }
0x66: {  	_ =	shalt  }
0x67: {  	_ =	shalt  }
0x68: {  	_ =	shalt  }
0x69: {  	_ =	shalt  }
0x6a: {  	_ =	shalt  }
0x6b: {  	_ =	shalt  }
0x6c: {  	_ =	shalt  }
0x6d: {  	_ =	shalt  }
0x6e: {  	_ =	shalt  }
0x6f: {  	_ =	shalt  }
0x70: {  	_ =	shalt  }
0x71: {  	_ =	shalt  }
0x72: {  	_ =	shalt  }
0x73: {  	_ =	shalt  }
0x74: {  	_ =	shalt  }
0x75: {  	_ =	shalt  }
0x76: {  	_ =	shalt  }
0x77: {  	_ =	shalt  }
0x78: {  	_ =	shalt  }
0x79: {  	_ =	shalt  }
0x7a: {  	_ =	shalt  }
0x7b: {  	_ =	shalt  }
0x7c: {  	_ =	shalt  }
0x7d: {  	_ =	shalt  }
0x7e: {  	_ =	shalt  }
0x7f: {  	_ =	shalt  }
0x80: {  	_ =	shalt  }
0x81: {  	_ =	shalt  }
0x82: {  	_ =	shalt  }
0x83: {  	_ =	shalt  }
0x84: {  	_ =	shalt  }
0x85: {  	_ =	shalt  }
0x86: {  	_ =	shalt  }
0x87: {  	_ =	shalt  }
.Lfunc_end0:
.L_simem_size_0:
called_computation_lowered:
.L_overlay_start_0:
0x88: {  	s2 =	sld [smem:$0x3FD9]  }
0x89: {  	s3 =	sld [smem:$0x3FFE];
	_ =	sdelay $0x1  }
0x8a: {  	s1 =	srdreg.scid  }
0x8b: {  	s0 =	sand.u32 $0x1, s1  }
0x8c: {  	s18 =	sshll.u32 s0, $0xA;
	s2 =	sadd.s32 s3, s2  }
0x8d: {  	s2 =	sadd.s32 s2, s18  }
0x8e: {  	[smem:$0x3FC7] =	sst s2  }
0x8f: {  	_ = 	snop  }
0x90: {  	s2 =	sld [smem:$0x3FC9]  }
0x91: {  	s19 =	sld [smem:$0x3FD0];
	(tm) =	ssettm $0x1  }
0x92: {  	s4 =	sld [smem:$0x3FFB];
	_ =	sdelay $0x3  }
0x93: {  	_ =	strace s4  }
0x94: {  	s4 =	sld [smem:$0x3FFC];
	_ =	sdelay $0x3  }
0x95: {  	_ =	strace s4  }
0x96: {  	s4 =	sld [smem:$0x3FFD];
	_ =	sdelay $0x3  }
0x97: {  	_ =	strace s4  }
0x98: {  	_ =	strace $0x8FFFFFFF  }
0x99: {  	s20 =	sld [smem:$0x3FDB];
	_ =	sdelay $0x1  }
0x9a: {  	s5 =	simm.s32 $_scs_section_size  }
0x9b: {  	s6 =	simm.s32 $_size__tile_overlayer_lowered;
	s7 =	simm.s32 $_tile_overlayer_lowered  }
0x9c: {  	s23 =	simm.s32 $0x1BFF;
	s22 =	sshll.u32 s7, $0x1;
	s4 =	sadd.s32 s5, s20  }
0x9d: {  	s8 =	simm.s32 $0x0;
	s21 =	sshll.u32 s6, $0x1;
	s6 =	sadd.s32 s22, s4  }
0x9e: {  	[timem:s8], [sflag:s23] =	dma.local [hbm:s6], s21  }
0x9f: {  	_ =	swait.ge [sflag:s23], s21  }
0xa0: {  	s5 =	ssub.s32 $0x0, s21;
	[sflag:s23] =	ssyncset.done $0x0  }
0xa1: {  	[sflag:s23] =	ssyncadd.s32 s5;
	_ =	sdelay $0x1  }
0xa2: {  	s24 =	simm.s32 $0x1B8B  }
0xa3: {  	_ =	swait.ge [sflag:s24], $0x1  }
0xa4: {  	[sflag:s24] =	ssyncset.done $0x0  }
0xa5: {  	s25 =	simm.s32 $0x1B8E;
	[sflag:s24] =	ssyncadd.s32 $0xFFFFFFFF  }
0xa6: {  	s26 =	simm.s32 $execute0_lowered;
	[smem:$0x3FD2] =	sst s25  }
0xa7: {  	s5 =	sshll.u32 s26, $0x1;
	_ =	strace $0x80000046;
	[dreg:$0x1] =	wrdreg $0xFFFFFFFF  }
0xa8: {  	s28 =	simm.s32 $_size_execute0_lowered;
	s4 =	sadd.s32 s4, s5;
	[dreg:$0x0] =	wrdreg $0x0  }
0xa9: {  	s5 =	sshll.u32 s28, $0x1;
	[dreg:$0x2] =	wrdreg s4  }
0xaa: {  	[dreg:$0x3] =	wrdreg s5  }
0xab: {  	[dreg:$0x4] =	wrdreg $0xC0  }
0xac: {  	_ =	task [dreg:s8], $0x5FFFF  }
0xad: {  	[dreg:$0x1] =	wrdreg $0xFFFFFFFF  }
0xae: {  	[dreg:$0x0] =	wrdreg $0x60  }
0xaf: {  	[dreg:$0x2] =	wrdreg s2  }
0xb0: {  	[dreg:$0x3] =	wrdreg s19  }
0xb1: {  	[dreg:$0x4] =	wrdreg $0x9  }
0xb2: {  	_ =	task.clear_ibuf [dreg:s8], $0x5FFFF;
	_ =	strace $0x90000046  }
0xb3: {  	s29 =	simm.s32 $0x9;
	_ =	strace $0x80000048  }
0xb4: {  	_ =	swait.ge [sflag:s29], $0x1  }
0xb5: {  	[sflag:s29] =	ssyncadd.s32 $0xFFFFFFFF  }
0xb6: {  	_ =	strace $0x90000048  }
0xb7: {  	_ =	sfence  }
0xb8: {  	s30 =	sld [smem:$0x0];
	_ =	sdelay $0x2  }
0xb9: {  	s31 =	sshll.u32 s1, $0xD;
	s1 =	sshrl.u32 s1, $0x2  }
0xba: {  	s3 =	sand.u32 $0x4000, s31;
	s1 =	sadd.s32 s1, s30  }
0xbb: {  	s0 =	sor.u32 s3, s0;
	s1 =	sshll.u32 s1, $0x11  }
0xbc: {  	s0 =	sor.u32 s1, s0  }
0xbd: {  	s0 =	sadd.s32 $0x8F2B, s0  }
0xbe: {  	[sflag:s0] =	ssyncadd.remote.s32 $0x1  }
0xbf: {  	_ =	sfence.sel $0xFFFF  }
0xc0: {  	[dreg:$0x0] =	wrdreg $0xFFFFFFFF;
	(pc) =	sbr.abs _section_cstart, $3  }
0xc1: {  	[dreg:$0x1] =	wrdreg $0xFFFFFFFF  }
0xc2: {  	_ =	task.clear_ibuf [dreg:s8], $0x2FFFF;
	_ =	strace $0x9FFFFFFF  }
0xc3: {  	(tm) =	ssettm $0x7FFFFFFF  }
tec
execute0_lowered:
.L_overlay_start_1:
0x0: {  	(tag) =	ssettag $0x1  }
0x1: {  	s1 =	rddreg [dreg:$0x0]  }
0x2: {  	s3 =	rddreg [dreg:$0x1];
	s0 =	srdreg.scid  }
0x3: {  	s4 =	simm.s32 $0x0;
	s7 =	stileid.u32;
	s16 =	simm.s32 $0x3  }
0x4: {  	s17 =	simm.s32 $0x80;
	s18 =	simm.s32 $0x800;
	s30 =	simm.s32 $0xD800  }
0x5: {  	s31 =	simm.s32 $0xE000;
	s19 =	simm.s32 $0x1;
	s0 =	sand.u32 $0x1, s0  }
0x6: {  	[smem:$0x7FF] =	sst s4;
	s5 =	sshll.u32 s7, $0x1;
	s2 =	ssub.s32 $0x2, s0  }
0x7: {  	s12 =	sshrl.u32 s7, $0x2;
	s9 =	sadd.s32 $0x10, s3;
	s6 =	sshrl.u32 s2, $0x1  }
0x8: {  	s10 =	sadd.s32 $0x100, s1;
	s2 =	ssub.s32 s2, s6;
	s6 =	sshll.u32 s12, $0xC  }
0x9: {  	v6 =	vlaneseq.u32;
	s11 =	sadd.s32 $0x200, s1;
	_ =	strace $0x80000047;
	s15 =	sor.u32 $0xF, s6  }
0xa: {  	s5 =	sand.u32 $0x6, s5;
	s7 =	sshll.u32 s12, $0x17;
	s14 =	sshll.u32 s12, $0x14;
	v0 =	vadd.s32 s15, v6  }
0xb: {  	vm0 =	vmmov $0xffff;
	s0 =	sor.u32 s0, s5;
	s8 =	sadd.s32 $0xFFFF8800, s7;
	s13 =	sadd.s32 s14, s9;
	v1 =	vshll.u32 v0, $0x3  }
.Ltmp0:
0xc: {  	v3 =	vor.u32 $0x8, v6;
	s14 =	sadd.s32 s14, s3;
	s5 =	sshll.u32 s0, $0x9;
	v2 =	vand.u32 $0x7, v0;
	v1 =	vand.u32 $0x7FFF80C0, v1;
	(pc) =	sbr.rel .LBB2_1-.Ltmp0, $4  }
0xd: {  	s12 =	sadd.s32 $0x300, s1;
	s14 =	sadd.s32 $0xFF110, s14;
	p0 =	sne.s32 s0, $0x7;
	v5 =	vor.u32 v2, v1;
	v1 =	vand.u32 $0x7, v6;
	v2 =	vshrl.u32 v6, $0x3  }
0xe: {  	s22 =	sor.u32 $0x1F, s6;
	s20 =	sor.u32 $0x2F, s6;
	s2 =	smax.u32 s2, $0x1;
	v7 =	vperm.xlane v5, v1;
	v2 =	vmul.u32 $0x8, v2;
	v8 =	vperm.xlane v5, v3  }
0xf: {  	v9 =	vimm.f32 $0.0e+00;
	s0 =	simm.s32 $0xE800;
	s21 =	sor.u32 $0x3F, s6;
	[dreg:$0x3] =	wrdreg s2;
	v4 =	vadd.s32 s22, v6;
	v5 =	vadd.s32 s20, v6  }
0x10: {  	s2 =	simm.s32 $0xF000;
	s15 =	simm.s32 $0xF800;
	v6 =	vadd.s32 s21, v6;
	s20 =	simm.s32 $0x2;
	v7 =	vadd.s32 v2, v7;
	v8 =	vadd.s32 v2, v8  }
.LBB2_16:
0x11: {  	s4 =	sadd.s32 $0x1, s4;
	s21 =	rddreg [dreg:$0x3]  }
0x12: {  	p1 =	sne.s32 s4, s21  }
.Ltmp1:
0x13: {  	_ = 	snop;
	(pc) =	sbr.rel @!p1 .LBB2_17-.Ltmp1, $1  }
0x14: {  	_ =	sdelay $0x3  }
.LBB2_1:
.Ltmp2:
0x15: {  	(pc) =	sbr.rel .LBB2_2-.Ltmp2, $2  }
0x16: {  	_ =	sdelay $0x2  }
0x17: {  	s21 =	simm.s32 $0x0  }
.LBB2_11:
0x18: {  	s21 =	sadd.s32 $0x1, s21  }
0x19: {  	p1 =	sne.s32 s21, $0x8  }
.Ltmp3:
0x1a: {  	_ = 	snop;
	(pc) =	sbr.rel @!p1 .LBB2_12-.Ltmp3, $1  }
0x1b: {  	_ =	sdelay $0x3  }
.LBB2_2:
0x1c: {  	s22 =	sshll.u32 s21, $0x6  }
0x1d: {  	s22 =	sadd.s32 s5, s22  }
0x1e: {  	s23 =	sadd.s32 s6, s22  }
0x1f: {  	s23 =	sshll.u32 s23, $0x7  }
0x20: {  	s24 =	simm.s32 $0x0;
	s23 =	sadd.s32 s1, s23  }
0x21: {  	[tilespmem:s24], [sflag:$0x3] =	stream.linear.gather [hbm4b:s23+s24], $0x10000, $0x38;
	[tilespmem:$0x14080] =	vst v63  }
0x22: {  	s23 =	sshll.u32 s22, $0xB  }
0x23: {  	_ =	swait.ge [sflag:s16], $0x10000;
	s25 =	sor.u32 s7, s23  }
0x24: {  	[sflag:s16] =	ssyncset.done $0x0;
	s24 =	sshrl.u32 s25, $0x3  }
0x25: {  	s26 =	simm.s32 $0x0;
	[sflag:s16] =	ssyncadd.s32 $0xFFFF0000;
	s25 =	sadd.s32 s3, s24  }
0x26: {  	[hbm4b:s25+s17] =	stream.strided.scatter [tilespmem:s26], [sflag:$0x3], $0x400, s18, s17, $0x38;
	[tilespmem:$0x14080] =	vst v63  }
0x27: {  	s29 =	simm.s32 $0x400;
	s26 =	sadd.s32 $0x20, s25  }
0x28: {  	[hbm4b:s26+s17] =	stream.strided.scatter [tilespmem:s29], [sflag:$0x3], $0x400, s18, s17, $0x38;
	[tilespmem:$0x14080] =	vst v63  }
0x29: {  	s26 =	simm.s32 $0x800;
	s29 =	sadd.s32 $0x40, s25  }
0x2a: {  	[hbm4b:s29+s17] =	stream.strided.scatter [tilespmem:s26], [sflag:$0x3], $0x400, s18, s17, $0x38;
	[tilespmem:$0x14080] =	vst v63  }
0x2b: {  	s26 =	simm.s32 $0xC00;
	s29 =	sadd.s32 $0x60, s25  }
0x2c: {  	[hbm4b:s29+s17] =	stream.strided.scatter [tilespmem:s26], [sflag:$0x3], $0x400, s18, s17, $0x38;
	[tilespmem:$0x14080] =	vst v63  }
0x2d: {  	s26 =	simm.s32 $0x1000;
	s29 =	sadd.s32 $0x80, s25  }
0x2e: {  	[hbm4b:s29+s17] =	stream.strided.scatter [tilespmem:s26], [sflag:$0x3], $0x400, s18, s17, $0x38;
	[tilespmem:$0x14080] =	vst v63  }
0x2f: {  	s26 =	simm.s32 $0x1400;
	s29 =	sadd.s32 $0xA0, s25  }
0x30: {  	[hbm4b:s29+s17] =	stream.strided.scatter [tilespmem:s26], [sflag:$0x3], $0x400, s18, s17, $0x38;
	[tilespmem:$0x14080] =	vst v63  }
0x31: {  	s24 =	simm.s32 $0x8000;
	s26 =	simm.s32 $0x1800;
	s29 =	sadd.s32 $0xC0, s25  }
0x32: {  	[hbm4b:s29+s17] =	stream.strided.scatter [tilespmem:s26], [sflag:$0x3], $0x400, s18, s17, $0x38;
	[tilespmem:$0x14080] =	vst v63  }
0x33: {  	s28 =	sadd.s32 $0xE0, s25;
	s25 =	sadd.s32 $0x800, s25;
	s26 =	simm.s32 $0x1C00  }
.LBB2_3:
0x34: {  	[hbm4b:s28+s17] =	stream.strided.scatter [tilespmem:s26], [sflag:$0x3], $0x400, s18, s17, $0x38;
	[tilespmem:$0x14080] =	vst v63  }
0x35: {  	s26 =	sshra.s32 s24, $0x2;
	p1 =	sne.s32 s24, $0x38000;
	s24 =	sadd.s32 $0x8000, s24  }
0x36: {  	[hbm4b:s25+s17] =	stream.strided.scatter [tilespmem:s26], [sflag:$0x3], $0x400, s18, s17, $0x38;
	[tilespmem:$0x14080] =	vst v63  }
0x37: {  	s29 =	sadd.s32 $0x20, s25;
	s28 =	sadd.s32 $0x400, s26  }
0x38: {  	[hbm4b:s29+s17] =	stream.strided.scatter [tilespmem:s28], [sflag:$0x3], $0x400, s18, s17, $0x38;
	[tilespmem:$0x14080] =	vst v63  }
0x39: {  	s28 =	sadd.s32 $0x800, s26;
	s29 =	sadd.s32 $0x40, s25  }
0x3a: {  	[hbm4b:s29+s17] =	stream.strided.scatter [tilespmem:s28], [sflag:$0x3], $0x400, s18, s17, $0x38;
	[tilespmem:$0x14080] =	vst v63  }
0x3b: {  	s28 =	sadd.s32 $0xC00, s26;
	s29 =	sadd.s32 $0x60, s25  }
0x3c: {  	[hbm4b:s29+s17] =	stream.strided.scatter [tilespmem:s28], [sflag:$0x3], $0x400, s18, s17, $0x38;
	[tilespmem:$0x14080] =	vst v63  }
0x3d: {  	s28 =	sadd.s32 $0x1000, s26;
	s29 =	sadd.s32 $0x80, s25  }
0x3e: {  	[hbm4b:s29+s17] =	stream.strided.scatter [tilespmem:s28], [sflag:$0x3], $0x400, s18, s17, $0x38;
	[tilespmem:$0x14080] =	vst v63  }
.Ltmp4:
0x3f: {  	s28 =	sadd.s32 $0x1400, s26;
	s29 =	sadd.s32 $0xA0, s25;
	(pc) =	sbr.rel @p1 .LBB2_3-.Ltmp4, $4  }
0x40: {  	[hbm4b:s29+s17] =	stream.strided.scatter [tilespmem:s28], [sflag:$0x3], $0x400, s18, s17, $0x38;
	[tilespmem:$0x14080] =	vst v63  }
0x41: {  	s28 =	sadd.s32 $0x1800, s26;
	s29 =	sadd.s32 $0xC0, s25  }
0x42: {  	[hbm4b:s29+s17] =	stream.strided.scatter [tilespmem:s28], [sflag:$0x3], $0x400, s18, s17, $0x38;
	[tilespmem:$0x14080] =	vst v63  }
0x43: {  	s26 =	sadd.s32 $0x1C00, s26;
	s28 =	sadd.s32 $0xE0, s25;
	s25 =	sadd.s32 $0x800, s25  }
0x44: {  	p1 =	seq.s32 s22, $0x0  }
.Ltmp5:
0x45: {  	_ = 	snop;
	(pc) =	sbr.rel @p1 .LBB2_8-.Ltmp5, $4  }
0x46: {  	[hbm4b:s28+s17] =	stream.strided.scatter [tilespmem:s26], [sflag:$0x3], $0x400, s18, s17, $0x38;
	[tilespmem:$0x14080] =	vst v63  }
0x47: {  	_ =	swait.ge [sflag:s16], $0x10000  }
0x48: {  	[sflag:s16] =	ssyncset.done $0x0  }
0x49: {  	[sflag:s16] =	ssyncadd.s32 $0xFFFF0000  }
0x4a: {  	s22 =	sadd.s32 s23, s8  }
0x4b: {  	s22 =	sshrl.u32 s22, $0x3  }
0x4c: {  	s25 =	simm.s32 $0x0;
	s23 =	sadd.s32 s22, s9  }
0x4d: {  	[hbm4b:s23+s17] =	stream.strided.scatter [tilespmem:s25], [sflag:$0x2], $0x400, s18, s17, $0x38;
	[tilespmem:$0x14080] =	vst v63  }
0x4e: {  	s26 =	simm.s32 $0x400;
	s24 =	sadd.s32 $0x20, s23  }
0x4f: {  	[hbm4b:s24+s17] =	stream.strided.scatter [tilespmem:s26], [sflag:$0x2], $0x400, s18, s17, $0x38;
	[tilespmem:$0x14080] =	vst v63  }
0x50: {  	s28 =	simm.s32 $0x800;
	s29 =	sadd.s32 $0x40, s23  }
0x51: {  	[hbm4b:s29+s17] =	stream.strided.scatter [tilespmem:s28], [sflag:$0x2], $0x400, s18, s17, $0x38;
	[tilespmem:$0x14080] =	vst v63  }
0x52: {  	s22 =	simm.s32 $0x8000;
	s25 =	simm.s32 $0xC00;
	s26 =	sadd.s32 $0x60, s23  }
0x53: {  	[hbm4b:s26+s17] =	stream.strided.scatter [tilespmem:s25], [sflag:$0x2], $0x400, s18, s17, $0x38;
	[tilespmem:$0x14080] =	vst v63  }
0x54: {  	s24 =	simm.s32 $0x1C00;
	s28 =	simm.s32 $0x1000;
	s29 =	sadd.s32 $0x80, s23  }
0x55: {  	[hbm4b:s29+s17] =	stream.strided.scatter [tilespmem:s28], [sflag:$0x2], $0x400, s18, s17, $0x38;
	[tilespmem:$0x14080] =	vst v63  }
0x56: {  	s25 =	simm.s32 $0x1400;
	s26 =	sadd.s32 $0xA0, s23;
	s28 =	simm.s32 $0x1800  }
0x57: {  	[hbm4b:s26+s17] =	stream.strided.scatter [tilespmem:s25], [sflag:$0x2], $0x400, s18, s17, $0x38;
	[tilespmem:$0x14080] =	vst v63  }
0x58: {  	s29 =	sadd.s32 $0xC0, s23;
	s25 =	sadd.s32 $0xE0, s23;
	s23 =	sadd.s32 $0x800, s23  }
0x59: {  	[hbm4b:s29+s17] =	stream.strided.scatter [tilespmem:s28], [sflag:$0x2], $0x400, s18, s17, $0x38;
	[tilespmem:$0x14080] =	vst v63  }
.LBB2_6:
0x5a: {  	[hbm4b:s25+s17] =	stream.strided.scatter [tilespmem:s24], [sflag:$0x2], $0x400, s18, s17, $0x38;
	[tilespmem:$0x14080] =	vst v63  }
0x5b: {  	s24 =	sshra.s32 s22, $0x2;
	p1 =	sne.s32 s22, $0x38000;
	s22 =	sadd.s32 $0x8000, s22  }
0x5c: {  	[hbm4b:s23+s17] =	stream.strided.scatter [tilespmem:s24], [sflag:$0x2], $0x400, s18, s17, $0x38;
	[tilespmem:$0x14080] =	vst v63  }
0x5d: {  	s26 =	sadd.s32 $0x20, s23;
	s25 =	sadd.s32 $0x400, s24  }
0x5e: {  	[hbm4b:s26+s17] =	stream.strided.scatter [tilespmem:s25], [sflag:$0x2], $0x400, s18, s17, $0x38;
	[tilespmem:$0x14080] =	vst v63  }
0x5f: {  	s25 =	sadd.s32 $0x800, s24;
	s26 =	sadd.s32 $0x40, s23  }
0x60: {  	[hbm4b:s26+s17] =	stream.strided.scatter [tilespmem:s25], [sflag:$0x2], $0x400, s18, s17, $0x38;
	[tilespmem:$0x14080] =	vst v63  }
0x61: {  	s25 =	sadd.s32 $0xC00, s24;
	s26 =	sadd.s32 $0x60, s23  }
0x62: {  	[hbm4b:s26+s17] =	stream.strided.scatter [tilespmem:s25], [sflag:$0x2], $0x400, s18, s17, $0x38;
	[tilespmem:$0x14080] =	vst v63  }
0x63: {  	s25 =	sadd.s32 $0x1000, s24;
	s26 =	sadd.s32 $0x80, s23  }
0x64: {  	[hbm4b:s26+s17] =	stream.strided.scatter [tilespmem:s25], [sflag:$0x2], $0x400, s18, s17, $0x38;
	[tilespmem:$0x14080] =	vst v63  }
.Ltmp6:
0x65: {  	s25 =	sadd.s32 $0x1400, s24;
	s26 =	sadd.s32 $0xA0, s23;
	(pc) =	sbr.rel @p1 .LBB2_6-.Ltmp6, $4  }
0x66: {  	[hbm4b:s26+s17] =	stream.strided.scatter [tilespmem:s25], [sflag:$0x2], $0x400, s18, s17, $0x38;
	[tilespmem:$0x14080] =	vst v63  }
0x67: {  	s25 =	sadd.s32 $0x1800, s24;
	s26 =	sadd.s32 $0xC0, s23  }
0x68: {  	[hbm4b:s26+s17] =	stream.strided.scatter [tilespmem:s25], [sflag:$0x2], $0x400, s18, s17, $0x38;
	[tilespmem:$0x14080] =	vst v63  }
0x69: {  	s24 =	sadd.s32 $0x1C00, s24;
	s25 =	sadd.s32 $0xE0, s23;
	s23 =	sadd.s32 $0x800, s23  }
.Ltmp7:
0x6a: {  	(pc) =	sbr.rel .LBB2_11-.Ltmp7, $4  }
0x6b: {  	[hbm4b:s25+s17] =	stream.strided.scatter [tilespmem:s24], [sflag:$0x2], $0x400, s18, s17, $0x38;
	[tilespmem:$0x14080] =	vst v63  }
0x6c: {  	_ =	swait.ge [sflag:s20], $0x10000  }
0x6d: {  	[sflag:s20] =	ssyncset.done $0x0  }
0x6e: {  	[sflag:s20] =	ssyncadd.s32 $0xFFFF0000  }
.LBB2_8:
0x6f: {  	[tilespmem:$0x10000] =	vst v0  }
0x70: {  	[tilespmem:$0x10010] =	vst v4  }
0x71: {  	[tilespmem:$0x10020] =	vst v5  }
0x72: {  	[tilespmem:$0x10030] =	vst v6;
	s22 =	simm.s32 $0x0  }
0x73: {  	[tilespmem:s22], [sflag:$0x1] =	stream.indirect_vreg.gather [hbm4b:s1+s22], $0x80, v7, vm0, $0xb8;
	[tilespmem:$0x14080] =	vst v63  }
0x74: {  	_ = 	snop  }
0x75: {  	[tilespmem:s18], [sflag:$0x1] =	stream.indirect_vreg.gather [hbm4b:s10+s22], $0x80, v7, vm0, $0xb8;
	[tilespmem:$0x14080] =	vst v63  }
0x76: {  	s23 =	simm.s32 $0x1000  }
0x77: {  	[tilespmem:s23], [sflag:$0x1] =	stream.indirect_vreg.gather [hbm4b:s11+s22], $0x80, v7, vm0, $0xb8;
	[tilespmem:$0x14080] =	vst v63  }
0x78: {  	s24 =	simm.s32 $0x1800  }
0x79: {  	[tilespmem:s24], [sflag:$0x1] =	stream.indirect_vreg.gather [hbm4b:s12+s22], $0x80, v7, vm0, $0xb8;
	[tilespmem:$0x14080] =	vst v63  }
0x7a: {  	s25 =	simm.s32 $0x2000  }
0x7b: {  	[tilespmem:s25], [sflag:$0x1] =	stream.indirect_vreg.gather [hbm4b:s1+s22], $0x80, v8, vm0, $0xb8;
	[tilespmem:$0x14080] =	vst v63  }
0x7c: {  	s26 =	simm.s32 $0x2800  }
0x7d: {  	[tilespmem:s26], [sflag:$0x1] =	stream.indirect_vreg.gather [hbm4b:s10+s22], $0x80, v8, vm0, $0xb8;
	[tilespmem:$0x14080] =	vst v63  }
0x7e: {  	s28 =	simm.s32 $0x3000  }
0x7f: {  	[tilespmem:s28], [sflag:$0x1] =	stream.indirect_vreg.gather [hbm4b:s11+s22], $0x80, v8, vm0, $0xb8;
	[tilespmem:$0x14080] =	vst v63  }
0x80: {  	s29 =	simm.s32 $0x3800  }
0x81: {  	[tilespmem:s29], [sflag:$0x1] =	stream.indirect_vreg.gather [hbm4b:s12+s22], $0x80, v8, vm0, $0xb8;
	[tilespmem:$0x14080] =	vst v63  }
0x82: {  	v10 =	vld [tilespmem:$0x10010];
	_ =	sdelay $0x4  }
0x83: {  	v11 =	vshll.u32 v10, $0x3  }
0x84: {  	v10 =	vand.u32 $0x7, v10;
	v11 =	vand.u32 $0xFFFFFFC0, v11  }
0x85: {  	v10 =	vor.u32 v10, v11  }
0x86: {  	v11 =	vperm.xlane v10, v1;
	_ =	sdelay $0x1  }
0x87: {  	v11 =	vadd.s32 v2, v11;
	_ =	sdelay $0x3  }
0x88: {  	s24 =	simm.s32 $0x4000  }
0x89: {  	[tilespmem:s24], [sflag:$0x1] =	stream.indirect_vreg.gather [hbm4b:s1+s22], $0x80, v11, vm0, $0xb8;
	[tilespmem:$0x14080] =	vst v63  }
0x8a: {  	s25 =	simm.s32 $0x4800;
	v10 =	vperm.xlane v10, v3  }
0x8b: {  	[tilespmem:s25], [sflag:$0x1] =	stream.indirect_vreg.gather [hbm4b:s10+s22], $0x80, v11, vm0, $0xb8;
	[tilespmem:$0x14080] =	vst v63  }
0x8c: {  	s26 =	simm.s32 $0x5000;
	v10 =	vadd.s32 v2, v10  }
0x8d: {  	[tilespmem:s26], [sflag:$0x1] =	stream.indirect_vreg.gather [hbm4b:s11+s22], $0x80, v11, vm0, $0xb8;
	[tilespmem:$0x14080] =	vst v63  }
0x8e: {  	s28 =	simm.s32 $0x5800  }
0x8f: {  	[tilespmem:s28], [sflag:$0x1] =	stream.indirect_vreg.gather [hbm4b:s12+s22], $0x80, v11, vm0, $0xb8;
	[tilespmem:$0x14080] =	vst v63  }
0x90: {  	s29 =	simm.s32 $0x6000  }
0x91: {  	[tilespmem:s29], [sflag:$0x1] =	stream.indirect_vreg.gather [hbm4b:s1+s22], $0x80, v10, vm0, $0xb8;
	[tilespmem:$0x14080] =	vst v63  }
0x92: {  	s24 =	simm.s32 $0x6800  }
0x93: {  	[tilespmem:s24], [sflag:$0x1] =	stream.indirect_vreg.gather [hbm4b:s10+s22], $0x80, v10, vm0, $0xb8;
	[tilespmem:$0x14080] =	vst v63  }
0x94: {  	s25 =	simm.s32 $0x7000  }
0x95: {  	[tilespmem:s25], [sflag:$0x1] =	stream.indirect_vreg.gather [hbm4b:s11+s22], $0x80, v10, vm0, $0xb8;
	[tilespmem:$0x14080] =	vst v63  }
0x96: {  	s26 =	simm.s32 $0x7800  }
0x97: {  	[tilespmem:s26], [sflag:$0x1] =	stream.indirect_vreg.gather [hbm4b:s12+s22], $0x80, v10, vm0, $0xb8;
	[tilespmem:$0x14080] =	vst v63  }
0x98: {  	v10 =	vld [tilespmem:$0x10020];
	_ =	sdelay $0x4  }
0x99: {  	v11 =	vshll.u32 v10, $0x3  }
0x9a: {  	v10 =	vand.u32 $0x7, v10;
	v11 =	vand.u32 $0xFFFFFFC0, v11  }
0x9b: {  	v10 =	vor.u32 v10, v11  }
0x9c: {  	v11 =	vperm.xlane v10, v1;
	_ =	sdelay $0x1  }
0x9d: {  	v11 =	vadd.s32 v2, v11;
	_ =	sdelay $0x3  }
0x9e: {  	s28 =	simm.s32 $0x8000  }
0x9f: {  	[tilespmem:s28], [sflag:$0x1] =	stream.indirect_vreg.gather [hbm4b:s1+s22], $0x80, v11, vm0, $0xb8;
	[tilespmem:$0x14080] =	vst v63  }
0xa0: {  	s29 =	simm.s32 $0x8800;
	v10 =	vperm.xlane v10, v3  }
0xa1: {  	[tilespmem:s29], [sflag:$0x1] =	stream.indirect_vreg.gather [hbm4b:s10+s22], $0x80, v11, vm0, $0xb8;
	[tilespmem:$0x14080] =	vst v63  }
0xa2: {  	s24 =	simm.s32 $0x9000;
	v10 =	vadd.s32 v2, v10  }
0xa3: {  	[tilespmem:s24], [sflag:$0x1] =	stream.indirect_vreg.gather [hbm4b:s11+s22], $0x80, v11, vm0, $0xb8;
	[tilespmem:$0x14080] =	vst v63  }
0xa4: {  	s25 =	simm.s32 $0x9800  }
0xa5: {  	[tilespmem:s25], [sflag:$0x1] =	stream.indirect_vreg.gather [hbm4b:s12+s22], $0x80, v11, vm0, $0xb8;
	[tilespmem:$0x14080] =	vst v63  }
0xa6: {  	s26 =	simm.s32 $0xA000  }
0xa7: {  	[tilespmem:s26], [sflag:$0x1] =	stream.indirect_vreg.gather [hbm4b:s1+s22], $0x80, v10, vm0, $0xb8;
	[tilespmem:$0x14080] =	vst v63  }
0xa8: {  	s28 =	simm.s32 $0xA800  }
0xa9: {  	[tilespmem:s28], [sflag:$0x1] =	stream.indirect_vreg.gather [hbm4b:s10+s22], $0x80, v10, vm0, $0xb8;
	[tilespmem:$0x14080] =	vst v63  }
0xaa: {  	s29 =	simm.s32 $0xB000  }
0xab: {  	[tilespmem:s29], [sflag:$0x1] =	stream.indirect_vreg.gather [hbm4b:s11+s22], $0x80, v10, vm0, $0xb8;
	[tilespmem:$0x14080] =	vst v63  }
0xac: {  	s24 =	simm.s32 $0xB800  }
0xad: {  	[tilespmem:s24], [sflag:$0x1] =	stream.indirect_vreg.gather [hbm4b:s12+s22], $0x80, v10, vm0, $0xb8;
	[tilespmem:$0x14080] =	vst v63  }
0xae: {  	v10 =	vld [tilespmem:$0x10030];
	_ =	sdelay $0x4  }
0xaf: {  	v11 =	vshll.u32 v10, $0x3  }
0xb0: {  	v10 =	vand.u32 $0x7, v10;
	v11 =	vand.u32 $0xFFFFFFC0, v11  }
0xb1: {  	v10 =	vor.u32 v10, v11  }
0xb2: {  	v11 =	vperm.xlane v10, v1;
	_ =	sdelay $0x1  }
0xb3: {  	v11 =	vadd.s32 v2, v11;
	_ =	sdelay $0x3  }
0xb4: {  	s25 =	simm.s32 $0xC000  }
0xb5: {  	[tilespmem:s25], [sflag:$0x1] =	stream.indirect_vreg.gather [hbm4b:s1+s22], $0x80, v11, vm0, $0xb8;
	[tilespmem:$0x14080] =	vst v63  }
0xb6: {  	s26 =	simm.s32 $0xC800;
	v10 =	vperm.xlane v10, v3  }
0xb7: {  	[tilespmem:s26], [sflag:$0x1] =	stream.indirect_vreg.gather [hbm4b:s10+s22], $0x80, v11, vm0, $0xb8;
	[tilespmem:$0x14080] =	vst v63  }
0xb8: {  	s28 =	simm.s32 $0xD000;
	v10 =	vadd.s32 v2, v10  }
0xb9: {  	[tilespmem:s28], [sflag:$0x1] =	stream.indirect_vreg.gather [hbm4b:s11+s22], $0x80, v11, vm0, $0xb8;
	[tilespmem:$0x14080] =	vst v63  }
0xba: {  	_ = 	snop  }
0xbb: {  	[tilespmem:s30], [sflag:$0x1] =	stream.indirect_vreg.gather [hbm4b:s12+s22], $0x80, v11, vm0, $0xb8;
	[tilespmem:$0x14080] =	vst v63  }
0xbc: {  	_ = 	snop  }
0xbd: {  	[tilespmem:s31], [sflag:$0x1] =	stream.indirect_vreg.gather [hbm4b:s1+s22], $0x80, v10, vm0, $0xb8;
	[tilespmem:$0x14080] =	vst v63  }
0xbe: {  	_ = 	snop  }
0xbf: {  	[tilespmem:s0], [sflag:$0x1] =	stream.indirect_vreg.gather [hbm4b:s10+s22], $0x80, v10, vm0, $0xb8;
	[tilespmem:$0x14080] =	vst v63  }
0xc0: {  	_ = 	snop  }
0xc1: {  	[tilespmem:s2], [sflag:$0x1] =	stream.indirect_vreg.gather [hbm4b:s11+s22], $0x80, v10, vm0, $0xb8;
	[tilespmem:$0x14080] =	vst v63  }
0xc2: {  	_ = 	snop  }
0xc3: {  	[tilespmem:s15], [sflag:$0x1] =	stream.indirect_vreg.gather [hbm4b:s12+s22], $0x80, v10, vm0, $0xb8;
	[tilespmem:$0x14080] =	vst v63  }
0xc4: {  	_ =	swait.ge [sflag:s19], $0x10000  }
0xc5: {  	[sflag:s19] =	ssyncset.done $0x0  }
0xc6: {  	s29 =	simm.s32 $0x0;
	[sflag:s19] =	ssyncadd.s32 $0xFFFF0000  }
0xc7: {  	[hbm4b:s13+s17] =	stream.strided.scatter [tilespmem:s29], [sflag:$0x3], $0x400, s18, s17, $0x38;
	[tilespmem:$0x14080] =	vst v63  }
0xc8: {  	s23 =	simm.s32 $0x400;
	s24 =	sadd.s32 $0x20, s13  }
0xc9: {  	[hbm4b:s24+s17] =	stream.strided.scatter [tilespmem:s23], [sflag:$0x3], $0x400, s18, s17, $0x38;
	[tilespmem:$0x14080] =	vst v63  }
0xca: {  	s25 =	simm.s32 $0x800;
	s26 =	sadd.s32 $0x40, s13  }
0xcb: {  	[hbm4b:s26+s17] =	stream.strided.scatter [tilespmem:s25], [sflag:$0x3], $0x400, s18, s17, $0x38;
	[tilespmem:$0x14080] =	vst v63  }
0xcc: {  	s28 =	simm.s32 $0xC00;
	s22 =	simm.s32 $0x8000;
	s29 =	sadd.s32 $0x60, s13  }
0xcd: {  	[hbm4b:s29+s17] =	stream.strided.scatter [tilespmem:s28], [sflag:$0x3], $0x400, s18, s17, $0x38;
	[tilespmem:$0x14080] =	vst v63  }
0xce: {  	s23 =	simm.s32 $0x1000;
	s24 =	sadd.s32 $0x80, s13;
	s25 =	simm.s32 $0x1400  }
0xcf: {  	[hbm4b:s24+s17] =	stream.strided.scatter [tilespmem:s23], [sflag:$0x3], $0x400, s18, s17, $0x38;
	[tilespmem:$0x14080] =	vst v63  }
0xd0: {  	s26 =	sadd.s32 $0xA0, s13;
	s28 =	simm.s32 $0x1800;
	s29 =	sadd.s32 $0xC0, s13  }
0xd1: {  	[hbm4b:s26+s17] =	stream.strided.scatter [tilespmem:s25], [sflag:$0x3], $0x400, s18, s17, $0x38;
	[tilespmem:$0x14080] =	vst v63  }
0xd2: {  	s24 =	simm.s32 $0x1C00;
	s23 =	sadd.s32 $0x800, s13;
	s25 =	sadd.s32 $0xE0, s13  }
0xd3: {  	[hbm4b:s29+s17] =	stream.strided.scatter [tilespmem:s28], [sflag:$0x3], $0x400, s18, s17, $0x38;
	[tilespmem:$0x14080] =	vst v63  }
.LBB2_9:
0xd4: {  	[hbm4b:s25+s17] =	stream.strided.scatter [tilespmem:s24], [sflag:$0x3], $0x400, s18, s17, $0x38;
	[tilespmem:$0x14080] =	vst v63  }
0xd5: {  	s24 =	sshra.s32 s22, $0x2;
	p1 =	sne.s32 s22, $0x38000;
	s22 =	sadd.s32 $0x8000, s22  }
0xd6: {  	[hbm4b:s23+s17] =	stream.strided.scatter [tilespmem:s24], [sflag:$0x3], $0x400, s18, s17, $0x38;
	[tilespmem:$0x14080] =	vst v63  }
0xd7: {  	s26 =	sadd.s32 $0x20, s23;
	s25 =	sadd.s32 $0x400, s24  }
0xd8: {  	[hbm4b:s26+s17] =	stream.strided.scatter [tilespmem:s25], [sflag:$0x3], $0x400, s18, s17, $0x38;
	[tilespmem:$0x14080] =	vst v63  }
0xd9: {  	s25 =	sadd.s32 $0x800, s24;
	s26 =	sadd.s32 $0x40, s23  }
0xda: {  	[hbm4b:s26+s17] =	stream.strided.scatter [tilespmem:s25], [sflag:$0x3], $0x400, s18, s17, $0x38;
	[tilespmem:$0x14080] =	vst v63  }
0xdb: {  	s25 =	sadd.s32 $0xC00, s24;
	s26 =	sadd.s32 $0x60, s23  }
0xdc: {  	[hbm4b:s26+s17] =	stream.strided.scatter [tilespmem:s25], [sflag:$0x3], $0x400, s18, s17, $0x38;
	[tilespmem:$0x14080] =	vst v63  }
0xdd: {  	s25 =	sadd.s32 $0x1000, s24;
	s26 =	sadd.s32 $0x80, s23  }
0xde: {  	[hbm4b:s26+s17] =	stream.strided.scatter [tilespmem:s25], [sflag:$0x3], $0x400, s18, s17, $0x38;
	[tilespmem:$0x14080] =	vst v63  }
.Ltmp8:
0xdf: {  	s25 =	sadd.s32 $0x1400, s24;
	s26 =	sadd.s32 $0xA0, s23;
	(pc) =	sbr.rel @p1 .LBB2_9-.Ltmp8, $4  }
0xe0: {  	[hbm4b:s26+s17] =	stream.strided.scatter [tilespmem:s25], [sflag:$0x3], $0x400, s18, s17, $0x38;
	[tilespmem:$0x14080] =	vst v63  }
0xe1: {  	s25 =	sadd.s32 $0x1800, s24;
	s26 =	sadd.s32 $0xC0, s23  }
0xe2: {  	[hbm4b:s26+s17] =	stream.strided.scatter [tilespmem:s25], [sflag:$0x3], $0x400, s18, s17, $0x38;
	[tilespmem:$0x14080] =	vst v63  }
0xe3: {  	s24 =	sadd.s32 $0x1C00, s24;
	s25 =	sadd.s32 $0xE0, s23;
	s23 =	sadd.s32 $0x800, s23  }
.Ltmp9:
0xe4: {  	(pc) =	sbr.rel .LBB2_11-.Ltmp9, $4  }
0xe5: {  	[hbm4b:s25+s17] =	stream.strided.scatter [tilespmem:s24], [sflag:$0x3], $0x400, s18, s17, $0x38;
	[tilespmem:$0x14080] =	vst v63  }
0xe6: {  	_ =	swait.ge [sflag:s16], $0x10000  }
0xe7: {  	[sflag:s16] =	ssyncset.done $0x0  }
0xe8: {  	[sflag:s16] =	ssyncadd.s32 $0xFFFF0000  }
.LBB2_12:
.Ltmp10:
0xe9: {  	(pc) =	sbr.rel @p0 .LBB2_16-.Ltmp10, $2  }
0xea: {  	_ =	sdelay $0x2  }
0xeb: {  	s21 =	simm.s32 $0x0  }
0xec: {  	s22 =	simm.s32 $0x0  }
0xed: {  	s23 =	sand.u32 $0x1C00, s21;
	s24 =	simm.s32 $0x0;
	s22 =	sand.u32 $0x2000, s22  }
0xee: {  	s24 =	sand.u32 $0x380, s24;
	s22 =	sor.u32 s23, s22  }
0xef: {  	s29 =	sand.u32 $0x70, s21;
	s22 =	sor.u32 s22, s24  }
0xf0: {  	s23 =	sor.u32 s29, s22  }
0xf1: {  	s22 =	simm.s32 $0x1;
	[tilespmem:s23+$0x10080] =	vst v9;
	s23 =	simm.s32 $0x80  }
.LBB2_14:
0xf2: {  	s24 =	sshll.u32 s22, $0x4;
	p1 =	sne.s32 s22, $0x3BF  }
0xf3: {  	s25 =	smov.u32 s22;
	s22 =	sadd.s32 $0x1, s22;
	s26 =	sand.u32 $0x1C00, s23  }
.Ltmp11:
0xf4: {  	s24 =	sand.u32 $0x2000, s24;
	s25 =	sshll.u32 s25, $0x1;
	(pc) =	sbr.rel @p1 .LBB2_14-.Ltmp11, $4  }
0xf5: {  	s21 =	sadd.s32 $0x10, s21;
	s25 =	sand.u32 $0x380, s25;
	s24 =	sor.u32 s26, s24  }
0xf6: {  	s26 =	sand.u32 $0x70, s21;
	s24 =	sor.u32 s24, s25  }
0xf7: {  	s24 =	sor.u32 s26, s24  }
0xf8: {  	s23 =	sadd.s32 $0x80, s23;
	[tilespmem:s24+$0x10080] =	vst v9  }
0xf9: {  	s21 =	simm.s32 $0x10080  }
0xfa: {  	[hbm4b:s14+s17] =	stream.strided.scatter [tilespmem:s21], [sflag:$0x2], $0x400, s18, s17, $0x38;
	[tilespmem:$0x14080] =	vst v63  }
0xfb: {  	s24 =	sadd.s32 $0x20, s14;
	s22 =	simm.s32 $0x10480  }
0xfc: {  	[hbm4b:s24+s17] =	stream.strided.scatter [tilespmem:s22], [sflag:$0x2], $0x400, s18, s17, $0x38;
	[tilespmem:$0x14080] =	vst v63  }
0xfd: {  	s25 =	sadd.s32 $0x40, s14;
	s26 =	simm.s32 $0x10880  }
0xfe: {  	[hbm4b:s25+s17] =	stream.strided.scatter [tilespmem:s26], [sflag:$0x2], $0x400, s18, s17, $0x38;
	[tilespmem:$0x14080] =	vst v63  }
0xff: {  	s28 =	sadd.s32 $0x60, s14;
	s29 =	simm.s32 $0x10C80  }
0x100: {  	[hbm4b:s28+s17] =	stream.strided.scatter [tilespmem:s29], [sflag:$0x2], $0x400, s18, s17, $0x38;
	[tilespmem:$0x14080] =	vst v63  }
0x101: {  	s23 =	sadd.s32 $0x80, s14;
	s24 =	simm.s32 $0x11080  }
0x102: {  	[hbm4b:s23+s17] =	stream.strided.scatter [tilespmem:s24], [sflag:$0x2], $0x400, s18, s17, $0x38;
	[tilespmem:$0x14080] =	vst v63  }
0x103: {  	s25 =	sadd.s32 $0xA0, s14;
	s26 =	simm.s32 $0x11480  }
0x104: {  	[hbm4b:s25+s17] =	stream.strided.scatter [tilespmem:s26], [sflag:$0x2], $0x400, s18, s17, $0x38;
	[tilespmem:$0x14080] =	vst v63  }
0x105: {  	s28 =	sadd.s32 $0xC0, s14;
	s29 =	simm.s32 $0x11880  }
0x106: {  	[hbm4b:s28+s17] =	stream.strided.scatter [tilespmem:s29], [sflag:$0x2], $0x400, s18, s17, $0x38;
	[tilespmem:$0x14080] =	vst v63  }
0x107: {  	s23 =	sadd.s32 $0xE0, s14;
	s24 =	simm.s32 $0x11C80  }
0x108: {  	[hbm4b:s23+s17] =	stream.strided.scatter [tilespmem:s24], [sflag:$0x2], $0x400, s18, s17, $0x38;
	[tilespmem:$0x14080] =	vst v63  }
0x109: {  	s25 =	sadd.s32 $0x800, s14;
	s26 =	simm.s32 $0x12080  }
0x10a: {  	[hbm4b:s25+s17] =	stream.strided.scatter [tilespmem:s26], [sflag:$0x2], $0x380, s18, s17, $0x38;
	[tilespmem:$0x14080] =	vst v63  }
0x10b: {  	s28 =	sadd.s32 $0x820, s14;
	s29 =	simm.s32 $0x12480  }
0x10c: {  	[hbm4b:s28+s17] =	stream.strided.scatter [tilespmem:s29], [sflag:$0x2], $0x380, s18, s17, $0x38;
	[tilespmem:$0x14080] =	vst v63  }
0x10d: {  	s23 =	sadd.s32 $0x840, s14;
	s24 =	simm.s32 $0x12880  }
0x10e: {  	[hbm4b:s23+s17] =	stream.strided.scatter [tilespmem:s24], [sflag:$0x2], $0x380, s18, s17, $0x38;
	[tilespmem:$0x14080] =	vst v63  }
0x10f: {  	s25 =	sadd.s32 $0x860, s14;
	s26 =	simm.s32 $0x12C80  }
0x110: {  	[hbm4b:s25+s17] =	stream.strided.scatter [tilespmem:s26], [sflag:$0x2], $0x380, s18, s17, $0x38;
	[tilespmem:$0x14080] =	vst v63  }
0x111: {  	s28 =	sadd.s32 $0x880, s14;
	s29 =	simm.s32 $0x13080  }
0x112: {  	[hbm4b:s28+s17] =	stream.strided.scatter [tilespmem:s29], [sflag:$0x2], $0x380, s18, s17, $0x38;
	[tilespmem:$0x14080] =	vst v63  }
0x113: {  	s23 =	sadd.s32 $0x8A0, s14;
	s24 =	simm.s32 $0x13480  }
0x114: {  	[hbm4b:s23+s17] =	stream.strided.scatter [tilespmem:s24], [sflag:$0x2], $0x380, s18, s17, $0x38;
	[tilespmem:$0x14080] =	vst v63  }
0x115: {  	s25 =	sadd.s32 $0x8C0, s14;
	s26 =	simm.s32 $0x13880  }
0x116: {  	[hbm4b:s25+s17] =	stream.strided.scatter [tilespmem:s26], [sflag:$0x2], $0x380, s18, s17, $0x38;
	[tilespmem:$0x14080] =	vst v63  }
.Ltmp12:
0x117: {  	s28 =	sadd.s32 $0x8E0, s14;
	s29 =	simm.s32 $0x13C80;
	(pc) =	sbr.rel .LBB2_16-.Ltmp12, $4  }
0x118: {  	[hbm4b:s28+s17] =	stream.strided.scatter [tilespmem:s29], [sflag:$0x2], $0x380, s18, s17, $0x38;
	[tilespmem:$0x14080] =	vst v63  }
0x119: {  	_ =	swait.ge [sflag:s20], $0x3C00  }
0x11a: {  	[sflag:s20] =	ssyncset.done $0x0  }
0x11b: {  	[sflag:s20] =	ssyncadd.s32 $0xFFFFC400  }
.LBB2_17:
0x11c: {  	_ =	sfence.sel $0x180000  }
0x11d: {  	[bflag:$0x0] =	sbarrier.arrive $0xFFFF  }
0x11e: {  	_ =	strace $0x90000047  }
0x11f: {  	s0 =	stileid.u32;
	[bflag:$0x2] =	sbarrier.arrive $0xFFFF  }
0x120: {  	p0 =	sne.s32 s0, $0x0;
	s0 =	rddreg [dreg:$0x2]  }
0x121: {  	s0 =	sadd.s32 @!p0 $0x100000, s0  }
0x122: {  	[sflag:s0] =	ssyncadd.tile.s32 @!p0 $0x1;
	_ =	shalt  }
.Lfunc_end2:
_tile_overlayer_lowered:
.L_overlay_start_2:
0x123: {  	(tag) =	ssettag $0x2  }
0x124: {  	s0 =	rddreg [dreg:$0x0];
	s2 =	stileid.u32  }
0x125: {  	s1 =	rddreg [dreg:$0x1];
	p0 =	sne.s32 s2, $0x0  }
0x126: {  	s3 =	rddreg [dreg:$0x2];
	[bflag:$0x3] =	sbarrier.arrive $0xFFFF;
	s2 =	simm.s32 @!p0 $0x1C02  }
0x127: {  	[timem:s3], [sflag:s2] =	dma.local @!p0 [hbm:s0], s1  }
0x128: {  	s0 =	simm.s32 @!p0 $0x2  }
0x129: {  	_ =	swait.ge @!p0 [sflag:s0], s1  }
0x12a: {  	s1 =	ssub.s32 @!p0 $0x0, s1;
	[sflag:s0] =	ssyncset.done @!p0 $0x0  }
0x12b: {  	[sflag:s0] =	ssyncadd.s32 @!p0 s1  }
0x12c: {  	[bflag:$0x3] =	sbarrier.arrive $0xFFFF  }
0x12d: {  	_ =	shalt  }

</sc_bundles>
